<compile_context>
chip_gen: v7x
topology: tpu7x:2x2x1
jax: 0.10.2.dev20260603
libtpu: 0.0.44.dev20260713+nightly
codegen_flags: <defaults>
</compile_context>

<pallas_src>
import functools

import jax
import jax.numpy as jnp
from jax import lax
from jax.experimental import pallas as pl
from jax.experimental.pallas import tpu as pltpu
from jax.experimental.pallas import tpu_sc as plsc

VOCAB = 50257
EMB = 1024
SEQ = 2048

_NC = 2
_NS = 16
_NW = _NC * _NS
_B_PER_W = SEQ // _NW


@functools.cache
def _make_sc_gather():
    @functools.partial(
        pl.kernel,
        mesh=plsc.VectorSubcoreMesh(
            core_axis_name="c", subcore_axis_name="s", num_cores=_NC
        ),
        out_type=jax.ShapeDtypeStruct((SEQ, EMB), jnp.float32),
        scratch_types=[
            pltpu.VMEM((_B_PER_W,), jnp.int32),
            pltpu.VMEM((_B_PER_W, EMB), jnp.float32),
            pltpu.SemaphoreType.DMA,
        ],
    )
    def _sc_gather(idx_hbm, table_hbm, out_hbm, idx_v, rows_v, sem):
        wid = lax.axis_index("s") * _NC + lax.axis_index("c")
        base = wid * _B_PER_W
        pltpu.sync_copy(idx_hbm.at[pl.ds(base, _B_PER_W)], idx_v)
        pltpu.async_copy(table_hbm.at[idx_v], rows_v, sem).wait()
        pltpu.sync_copy(rows_v, out_hbm.at[pl.ds(base, _B_PER_W)])

    return _sc_gather


_TV = 2048
_NV = (VOCAB + _TV - 1) // _TV


def _ln_body(emb_ref, pos_ref, scale_ref, bias_ref, h_ref):
    h = emb_ref[...] + pos_ref[...]
    mean = jnp.mean(h, axis=1, keepdims=True)
    hc = h - mean
    var = jnp.mean(hc * hc, axis=1, keepdims=True)
    hn = hc * lax.rsqrt(var + 1e-5)
    h_ref[...] = (hn * scale_ref[...] + bias_ref[...]).astype(jnp.bfloat16)


_LN_TS = 256

_tc_ln = pl.pallas_call(
    _ln_body,
    grid=(SEQ // _LN_TS,),
    in_specs=[
        pl.BlockSpec((_LN_TS, EMB), lambda i: (i, 0)),
        pl.BlockSpec((_LN_TS, EMB), lambda i: (i, 0)),
        pl.BlockSpec((1, EMB), lambda i: (0, 0)),
        pl.BlockSpec((1, EMB), lambda i: (0, 0)),
    ],
    out_specs=pl.BlockSpec((_LN_TS, EMB), lambda i: (i, 0)),
    out_shape=jax.ShapeDtypeStruct((SEQ, EMB), jnp.bfloat16),
    compiler_params=pltpu.CompilerParams(
        dimension_semantics=("arbitrary",),
    ),
)


def _mm_body(h_ref, w_ref, out_ref):
    out_ref[...] = lax.dot_general(
        h_ref[...],
        w_ref[...].astype(jnp.bfloat16),
        (((1,), (1,)), ((), ())),
        preferred_element_type=jnp.float32,
    )


_tc_mm = pl.pallas_call(
    _mm_body,
    grid=(_NV,),
    in_specs=[
        pl.BlockSpec((SEQ, EMB), lambda i: (0, 0)),
        pl.BlockSpec((_TV, EMB), lambda i: (i, 0)),
    ],
    out_specs=pl.BlockSpec((SEQ, _TV), lambda i: (0, i)),
    out_shape=jax.ShapeDtypeStruct((SEQ, VOCAB), jnp.float32),
    compiler_params=pltpu.CompilerParams(
        dimension_semantics=("arbitrary",),
        vmem_limit_bytes=63 * 1024 * 1024,
    ),
)


def kernel(x, tok_table, pos_table, ln_scale, ln_bias, W_out):
    batch, seq = x.shape
    idx = x.reshape(seq).astype(jnp.int32)
    emb = _make_sc_gather()(idx, tok_table)
    h = _tc_ln(
        emb,
        pos_table[:seq],
        ln_scale.reshape(1, EMB),
        ln_bias.reshape(1, EMB),
    )
    logits = _tc_mm(h, W_out)
    return logits.reshape(batch, seq, VOCAB)

# --- scband reference (transcript-rebuilt; emitter-appended) ---
"""Pipeline reference for scband-polymnia-2559800508699 (READ-ONLY COPY).

The authoritative reference and input builder live on the scoring server;
editing this copy changes nothing except your own understanding.
"""

import jax, jax.numpy as jnp
import numpy as np

VOCAB = 50257
EMB = 1024
CTX = 2048
BATCH = 1
SEQ = 2048

def setup_inputs(seed: int = 0) -> dict:
    key = jax.random.key(seed)
    k1, k2, k3, k4 = jax.random.split(key, 4)
    x = jax.random.randint(k1, (BATCH, SEQ), 0, VOCAB, dtype=jnp.int64 if jax.config.jax_enable_x64 else jnp.int32)
    tok_table = jax.random.normal(k2, (VOCAB, EMB), dtype=jnp.float32) * 0.02
    pos_table = jax.random.normal(k3, (CTX, EMB), dtype=jnp.float32) * 0.02
    ln_scale = jnp.ones((EMB,), dtype=jnp.float32)
    ln_bias = jnp.zeros((EMB,), dtype=jnp.float32)
    W_out = jax.random.normal(k4, (VOCAB, EMB), dtype=jnp.float32) * 0.02
    return {"x": x, "tok_table": tok_table, "pos_table": pos_table, "ln_scale": ln_scale, "ln_bias": ln_bias, "W_out": W_out}

def _layer_norm(h, scale, bias, eps=1e-5):
    mean = jnp.mean(h, axis=-1, keepdims=True)
    var = jnp.mean(jnp.square(h - mean), axis=-1, keepdims=True)
    return (h - mean) / jnp.sqrt(var + eps) * scale + bias

def reference(x, tok_table, pos_table, ln_scale, ln_bias, W_out):
    batch_size, seq_length = x.shape
    token_embedding = jnp.take(tok_table, x, axis=0)          # [B, S, E] embedding gather
    positional_embedding = jnp.take(pos_table, jnp.arange(seq_length), axis=0)  # [S, E]
    var = token_embedding + positional_embedding[None, :, :]
    # dropout in eval mode -> identity
    # transformer_blocks in the source is a degenerate nn.Sequential -> identity passthrough
    var = _layer_norm(var, ln_scale, ln_bias)
    logits = jnp.einsum('bse,ve->bsv', var, W_out)            # Linear(bias=False): var @ W.T
    return logits

if __name__ == "__main__":
    import jax
    _d = setup_inputs()
    print(jax.jit(kernel)(*tuple(_d.values())))

</pallas_src>

<mosaic_0001>
#map = affine_map<(d0, d1) -> (0)>
#map1 = affine_map<(d0, d1) -> (0, 0)>
module attributes {stable_mosaic.version = 14 : i64} {
  func.func @_sc_gather(%arg0: i32, %arg1: i32, %arg2: memref<2048xi32, #tpu.memory_space<hbm>>, %arg3: memref<50257x1024xf32, #tpu.memory_space<hbm>>, %arg4: memref<2048x1024xf32, #tpu.memory_space<hbm>>, %arg5: memref<64xi32, #tpu.memory_space<vmem>>, %arg6: memref<64x1024xf32, #tpu.memory_space<vmem>>, %arg7: memref<!tpu.dma_semaphore, #tpu.memory_space<semaphore_mem>>) attributes {dimension_semantics = [#tpu.dimension_semantics<core_parallel>, #tpu.dimension_semantics<subcore_parallel>], iteration_bounds = array<i64: 2, 16>, scalar_prefetch = 0 : i64, scratch_operands = 3 : i64, tpu.core_type = #tpu.core_type<sc_vector_subcore>, window_params = [{transform_indices = #map}, {transform_indices = #map1}, {transform_indices = #map1}]} {
    %mul3A = arith.constant 2 : i32
    %mul3A_0 = arith.muli %arg1, %mul3A : i32
    %add3A = arith.addi %mul3A_0, %arg0 : i32
    %mul3A_1 = arith.constant 64 : i32
    %mul3A_2 = arith.muli %add3A, %mul3A_1 : i32
    "tpu.region"() ({
      %run_scoped3A = tpu.sem_alloc : memref<!tpu.dma_semaphore, #tpu.memory_space<semaphore_mem>>
      %dma_start3A_7 = tpu.memref_slice %arg2[%mul3A_2] : memref<2048xi32, #tpu.memory_space<hbm>> -> memref<64xi32, #tpu.memory_space<hbm>>
      %dma_start3A_8 = tpu.memref_slice %arg2[%mul3A_2] : memref<2048xi32, #tpu.memory_space<hbm>> -> memref<64xi32, #tpu.memory_space<hbm>>
      tpu.enqueue_dma source(%dma_start3A_8 : memref<64xi32, #tpu.memory_space<hbm>>) target(%arg5 : memref<64xi32, #tpu.memory_space<vmem>>) target_semaphore(%run_scoped3A : memref<!tpu.dma_semaphore, #tpu.memory_space<semaphore_mem>>)
      %dma_wait3A_9 = tpu.memref_slice %arg2[%mul3A_2] : memref<2048xi32, #tpu.memory_space<hbm>> -> memref<64xi32, #tpu.memory_space<hbm>>
      %dma_wait3A_10 = tpu.memref_slice %arg2[%mul3A_2] : memref<2048xi32, #tpu.memory_space<hbm>> -> memref<64xi32, #tpu.memory_space<hbm>>
      tpu.wait_dma2 semaphore(%run_scoped3A : memref<!tpu.dma_semaphore, #tpu.memory_space<semaphore_mem>>) src(%dma_wait3A_10 : memref<64xi32, #tpu.memory_space<hbm>>) dst(%arg5 : memref<64xi32, #tpu.memory_space<vmem>>)
      tpu.yield
    }) : () -> ()
    %dma_start3A = arith.constant 0 : i32
    %dma_start3A_3 = arith.constant 0 : i32
    %dma_start3A_4 = tpu.memref_slice %arg3[%dma_start3A, %dma_start3A_3] : memref<50257x1024xf32, #tpu.memory_space<hbm>> -> memref<50257x1024xf32, #tpu.memory_space<hbm>>
    tpu.enqueue_indirect_dma source(%dma_start3A_4 : memref<50257x1024xf32, #tpu.memory_space<hbm>>) target(%arg6 : memref<64x1024xf32, #tpu.memory_space<vmem>>) offsets(%arg5 : memref<64xi32, #tpu.memory_space<vmem>>) semaphore(%arg7 : memref<!tpu.dma_semaphore, #tpu.memory_space<semaphore_mem>>)
    %dma_wait3A = arith.constant 0 : i32
    %dma_wait3A_5 = arith.constant 0 : i32
    %dma_wait3A_6 = tpu.memref_slice %arg3[%dma_wait3A, %dma_wait3A_5] : memref<50257x1024xf32, #tpu.memory_space<hbm>> -> memref<50257x1024xf32, #tpu.memory_space<hbm>>
    tpu.wait_indirect_dma semaphore(%arg7 : memref<!tpu.dma_semaphore, #tpu.memory_space<semaphore_mem>>) src(%dma_wait3A_6 : memref<50257x1024xf32, #tpu.memory_space<hbm>>) dst(%arg6 : memref<64x1024xf32, #tpu.memory_space<vmem>>)
    "tpu.region"() ({
      %run_scoped3A = tpu.sem_alloc : memref<!tpu.dma_semaphore, #tpu.memory_space<semaphore_mem>>
      %dma_start3A_7 = arith.constant 0 : i32
      %dma_start3A_8 = tpu.memref_slice %arg4[%mul3A_2, %dma_start3A_7] : memref<2048x1024xf32, #tpu.memory_space<hbm>> -> memref<64x1024xf32, #tpu.memory_space<hbm>>
      %dma_start3A_9 = arith.constant 0 : i32
      %dma_start3A_10 = tpu.memref_slice %arg4[%mul3A_2, %dma_start3A_9] : memref<2048x1024xf32, #tpu.memory_space<hbm>> -> memref<64x1024xf32, #tpu.memory_space<hbm>>
      tpu.enqueue_dma source(%arg6 : memref<64x1024xf32, #tpu.memory_space<vmem>>) target(%dma_start3A_10 : memref<64x1024xf32, #tpu.memory_space<hbm>>) target_semaphore(%run_scoped3A : memref<!tpu.dma_semaphore, #tpu.memory_space<semaphore_mem>>)
      %dma_wait3A_11 = arith.constant 0 : i32
      %dma_wait3A_12 = tpu.memref_slice %arg4[%mul3A_2, %dma_wait3A_11] : memref<2048x1024xf32, #tpu.memory_space<hbm>> -> memref<64x1024xf32, #tpu.memory_space<hbm>>
      %dma_wait3A_13 = arith.constant 0 : i32
      %dma_wait3A_14 = tpu.memref_slice %arg4[%mul3A_2, %dma_wait3A_13] : memref<2048x1024xf32, #tpu.memory_space<hbm>> -> memref<64x1024xf32, #tpu.memory_space<hbm>>
      tpu.wait_dma2 semaphore(%run_scoped3A : memref<!tpu.dma_semaphore, #tpu.memory_space<semaphore_mem>>) src(%arg6 : memref<64x1024xf32, #tpu.memory_space<vmem>>) dst(%dma_wait3A_14 : memref<64x1024xf32, #tpu.memory_space<hbm>>)
      tpu.yield
    }) : () -> ()
    return
  }
}

module attributes {stable_mosaic.version = 14 : i64} {
  func.func @_ln_body(%arg0: i32, %arg1: memref<256x1024xf32, #tpu.memory_space<vmem>>, %arg2: memref<256x1024xf32, #tpu.memory_space<vmem>>, %arg3: memref<1x1024xf32, #tpu.memory_space<vmem>>, %arg4: memref<1x1024xf32, #tpu.memory_space<vmem>>, %arg5: memref<256x1024xbf16, #tpu.memory_space<vmem>>) attributes {dimension_semantics = [#tpu.dimension_semantics<arbitrary>], iteration_bounds = array<i64: 8>, scalar_prefetch = 0 : i64, scratch_operands = 0 : i64, tpu.core_type = #tpu.core_type<tc>, window_params = [{transform_indices = @transform_0, window_bounds = array<i64: 256, 1024>}, {transform_indices = @transform_1, window_bounds = array<i64: 256, 1024>}, {pipeline_mode = #tpu.pipeline_mode<synchronous>, transform_indices = @transform_2, window_bounds = array<i64: 1, 1024>}, {pipeline_mode = #tpu.pipeline_mode<synchronous>, transform_indices = @transform_3, window_bounds = array<i64: 1, 1024>}, {transform_indices = @transform_4, window_bounds = array<i64: 256, 1024>}]} {
    %get3A = arith.constant 0 : index
    %get3A_0 = arith.constant 0 : index
    %get3A_1 = vector.load %arg1[%get3A, %get3A_0] : memref<256x1024xf32, #tpu.memory_space<vmem>>, vector<256x1024xf32>
    %get3A_2 = arith.constant 0 : index
    %get3A_3 = arith.constant 0 : index
    %get3A_4 = vector.load %arg2[%get3A_2, %get3A_3] : memref<256x1024xf32, #tpu.memory_space<vmem>>, vector<256x1024xf32>
    %add3A = arith.addf %get3A_1, %get3A_4 : vector<256x1024xf32>
    %reduce_sum3A = arith.constant dense<0.000000e+00> : vector<256xf32>
    %reduce_sum3A_5 = vector.multi_reduction <add>, %add3A, %reduce_sum3A [1] : vector<256x1024xf32> to vector<256xf32>
    %broadcast_in_dim3A = vector.shape_cast %reduce_sum3A_5 : vector<256xf32> to vector<256x1xf32>
    %div3A = arith.constant 1.024000e+03 : f32
    %div3A_6 = vector.broadcast %div3A : f32 to vector<256x1xf32>
    %div3A_7 = arith.divf %broadcast_in_dim3A, %div3A_6 : vector<256x1xf32>
    %sub3A = vector.broadcast %div3A_7 : vector<256x1xf32> to vector<256x1024xf32>
    %sub3A_8 = arith.subf %add3A, %sub3A : vector<256x1024xf32>
    %mul3A = arith.mulf %sub3A_8, %sub3A_8 : vector<256x1024xf32>
    %reduce_sum3A_9 = arith.constant dense<0.000000e+00> : vector<256xf32>
    %reduce_sum3A_10 = vector.multi_reduction <add>, %mul3A, %reduce_sum3A_9 [1] : vector<256x1024xf32> to vector<256xf32>
    %broadcast_in_dim3A_11 = vector.shape_cast %reduce_sum3A_10 : vector<256xf32> to vector<256x1xf32>
    %div3A_12 = arith.constant 1.024000e+03 : f32
    %div3A_13 = vector.broadcast %div3A_12 : f32 to vector<256x1xf32>
    %div3A_14 = arith.divf %broadcast_in_dim3A_11, %div3A_13 : vector<256x1xf32>
    %add3A_15 = arith.constant 9.99999974E-6 : f32
    %add3A_16 = vector.broadcast %add3A_15 : f32 to vector<256x1xf32>
    %add3A_17 = arith.addf %div3A_14, %add3A_16 : vector<256x1xf32>
    %rsqrt3A = math.rsqrt %add3A_17 : vector<256x1xf32>
    %mul3A_18 = vector.broadcast %rsqrt3A : vector<256x1xf32> to vector<256x1024xf32>
    %mul3A_19 = arith.mulf %sub3A_8, %mul3A_18 : vector<256x1024xf32>
    %get3A_20 = arith.constant 0 : index
    %get3A_21 = arith.constant 0 : index
    %get3A_22 = vector.load %arg3[%get3A_20, %get3A_21] : memref<1x1024xf32, #tpu.memory_space<vmem>>, vector<1x1024xf32>
    %mul3A_23 = vector.broadcast %get3A_22 : vector<1x1024xf32> to vector<256x1024xf32>
    %mul3A_24 = arith.mulf %mul3A_19, %mul3A_23 : vector<256x1024xf32>
    %get3A_25 = arith.constant 0 : index
    %get3A_26 = arith.constant 0 : index
    %get3A_27 = vector.load %arg4[%get3A_25, %get3A_26] : memref<1x1024xf32, #tpu.memory_space<vmem>>, vector<1x1024xf32>
    %add3A_28 = vector.broadcast %get3A_27 : vector<1x1024xf32> to vector<256x1024xf32>
    %add3A_29 = arith.addf %mul3A_24, %add3A_28 : vector<256x1024xf32>
    %convert_element_type3A = arith.truncf %add3A_29 : vector<256x1024xf32> to vector<256x1024xbf16>
    %swap3A = arith.constant 0 : index
    %swap3A_30 = arith.constant 0 : index
    %swap3A_31 = vector.load %arg5[%swap3A, %swap3A_30] : memref<256x1024xbf16, #tpu.memory_space<vmem>>, vector<256x1024xbf16>
    tpu.vector_store %arg5[%swap3A, %swap3A_30], %convert_element_type3A {strides = array<i32>} : memref<256x1024xbf16, #tpu.memory_space<vmem>>, vector<256x1024xbf16>,
    return
  }
  func.func @transform_0(%arg0: i32) -> (i32, i32) {
    %c0_i32 = arith.constant 0 : i32
    %c0_i32_0 = arith.constant 0 : i32
    return %arg0, %c0_i32 : i32, i32
  }
  func.func @transform_1(%arg0: i32) -> (i32, i32) {
    %c0_i32 = arith.constant 0 : i32
    %c0_i32_0 = arith.constant 0 : i32
    return %arg0, %c0_i32 : i32, i32
  }
  func.func @transform_2(%arg0: i32) -> (i32, i32) {
    %c0_i32 = arith.constant 0 : i32
    %c0_i32_0 = arith.constant 0 : i32
    %c0_i32_1 = arith.constant 0 : i32
    return %c0_i32, %c0_i32_0 : i32, i32
  }
  func.func @transform_3(%arg0: i32) -> (i32, i32) {
    %c0_i32 = arith.constant 0 : i32
    %c0_i32_0 = arith.constant 0 : i32
    %c0_i32_1 = arith.constant 0 : i32
    return %c0_i32, %c0_i32_0 : i32, i32
  }
  func.func @transform_4(%arg0: i32) -> (i32, i32) {
    %c0_i32 = arith.constant 0 : i32
    %c0_i32_0 = arith.constant 0 : i32
    return %arg0, %c0_i32 : i32, i32
  }
}

module attributes {stable_mosaic.version = 14 : i64} {
  func.func @_mm_body(%arg0: i32, %arg1: memref<2048x1024xbf16, #tpu.memory_space<vmem>>, %arg2: memref<2048x1024xf32, #tpu.memory_space<vmem>>, %arg3: memref<2048x2048xf32, #tpu.memory_space<vmem>>) attributes {dimension_semantics = [#tpu.dimension_semantics<arbitrary>], iteration_bounds = array<i64: 25>, scalar_prefetch = 0 : i64, scratch_operands = 0 : i64, tpu.core_type = #tpu.core_type<tc>, window_params = [{pipeline_mode = #tpu.pipeline_mode<synchronous>, transform_indices = @transform_0, window_bounds = array<i64: 2048, 1024>}, {transform_indices = @transform_1, window_bounds = array<i64: 2048, 1024>}, {transform_indices = @transform_2, window_bounds = array<i64: 2048, 2048>}]} {
    %get3A = arith.constant 0 : index
    %get3A_0 = arith.constant 0 : index
    %get3A_1 = vector.load %arg1[%get3A, %get3A_0] : memref<2048x1024xbf16, #tpu.memory_space<vmem>>, vector<2048x1024xbf16>
    %get3A_2 = arith.constant 0 : index
    %get3A_3 = arith.constant 0 : index
    %get3A_4 = vector.load %arg2[%get3A_2, %get3A_3] : memref<2048x1024xf32, #tpu.memory_space<vmem>>, vector<2048x1024xf32>
    %convert_element_type3A = arith.truncf %get3A_4 : vector<2048x1024xf32> to vector<2048x1024xbf16>
    %dot_general3A = arith.constant dense<0.000000e+00> : vector<2048x2048xf32>
    %dot_general3A_5 = tpu.matmul %get3A_1, %convert_element_type3A, %dot_general3A {dimension_numbers = #tpu.dot_dimension_numbers<[1], [1], [0], [0], [0, 0, 1, 0], [], []>, transpose_lhs_hint = false} : vector<2048x1024xbf16>, vector<2048x1024xbf16>, vector<2048x2048xf32> -> vector<2048x2048xf32>
    %swap3A = arith.constant 0 : index
    %swap3A_6 = arith.constant 0 : index
    %swap3A_7 = vector.load %arg3[%swap3A, %swap3A_6] : memref<2048x2048xf32, #tpu.memory_space<vmem>>, vector<2048x2048xf32>
    tpu.vector_store %arg3[%swap3A, %swap3A_6], %dot_general3A_5 {strides = array<i32>} : memref<2048x2048xf32, #tpu.memory_space<vmem>>, vector<2048x2048xf32>,
    return
  }
  func.func @transform_0(%arg0: i32) -> (i32, i32) {
    %c0_i32 = arith.constant 0 : i32
    %c0_i32_0 = arith.constant 0 : i32
    %c0_i32_1 = arith.constant 0 : i32
    return %c0_i32, %c0_i32_0 : i32, i32
  }
  func.func @transform_1(%arg0: i32) -> (i32, i32) {
    %c0_i32 = arith.constant 0 : i32
    %c0_i32_0 = arith.constant 0 : i32
    return %arg0, %c0_i32 : i32, i32
  }
  func.func @transform_2(%arg0: i32) -> (i32, i32) {
    %c0_i32 = arith.constant 0 : i32
    %c0_i32_0 = arith.constant 0 : i32
    return %c0_i32, %arg0 : i32, i32
  }
}

</mosaic_0001>

<sc_bundles>
// kernel: kernel.5.cloned.1.call-start
scs
__scs_entry_jumppad:
0x0: {  	(pc) =	sbr.rel $0x88, $3  }
0x1: {  	(tag) =	ssettag $0x0;
	lr =	simm.s32 $0x1  }
0x2: {  	[smem:$0x3F9B] =	sst lr;
	_ =	strace $0xD0000000  }
0x3: {  	_ = 	snop  }
0x4: {  	_ = 	snop  }
0x5: {  	_ = 	snop  }
0x6: {  	_ = 	snop  }
0x7: {  	_ = 	snop  }
__scs_overlays_trampoline_lowered:
0x8: {  	[smem:$0x3FAA] =	sst s0  }
0x9: {  	[smem:$0x3FAB] =	sst s1  }
0xa: {  	[smem:$0x3FAC] =	sst s2  }
0xb: {  	[smem:$0x3FAD] =	sst s3  }
0xc: {  	[smem:$0x3FAE] =	sst s4  }
0xd: {  	[smem:$0x3FAF] =	sst s5  }
0xe: {  	[smem:$0x3FB0] =	sst s6  }
0xf: {  	[smem:$0x3FB1] =	sst s7  }
0x10: {  	[smem:$0x3FB2] =	sst s8  }
0x11: {  	[smem:$0x3FB3] =	sst s9;
	s0 =	simm.s32 @!p0 $0x0  }
0x12: {  	s1 =	sld [smem:$0x3F99];
	s0 =	simm.s32 @p0 $0x1  }
0x13: {  	[smem:$0x3FB4] =	sst s0;
	s0 =	simm.s32 @!p1 $0x0  }
0x14: {  	s2 =	sld [smem:$0x3F98];
	s0 =	simm.s32 @p1 $0x1  }
0x15: {  	[smem:$0x3FB5] =	sst s0;
	s0 =	simm.s32 @!p2 $0x0  }
0x16: {  	s3 =	sld [smem:$0x3FDB];
	s0 =	simm.s32 @p2 $0x1  }
0x17: {  	s4 =	simm.s32 $0x1BF5;
	[smem:$0x3FB7] =	sst s0  }
0x18: {  	s0 =	sld [smem:$0x3F9A];
	_ =	swait.ge [sflag:s4], $0x0  }
0x19: {  	s7 =	sld [smem:$0x3F9B]  }
0x1a: {  	s8 =	sadd.s32 $0xFFFFE003, lr  }
0x1b: {  	s9 =	sadd.s32 $0xFFFFFEF7, lr;
	s5 =	simm.s32 $0xFFFFFFFF;
	p2 =	slt.u32 s8, $0xFFFFF086  }
0x1c: {  	p1 =	slt.u32 s9, $0xF7A;
	s5 =	simm.s32 @!p2 $0x0  }
0x1d: {  	s5 =	simm.s32 @p1 $0x1;
	p0 =	seq.s32 s7, s2  }
0x1e: {  	s7 =	smul.u32 @!p0 $0xF7A, s2;
	p2 =	seq.s32 @!p0 s5, $0x0  }
0x1f: {  	s9 =	smul.u32 $0xF7A, s1;
	s8 =	simm.s32 @!p0 $0x1BF5;
	p2 =	por !p2, p0  }
0x20: {  	[sflag:s8] =	ssyncset.s32 @!p0 $0xFFFFF086;
	s6 =	sadd.s32 @!p0 s3, s7;
	s7 =	simm.s32 @!p0 $0x108  }
0x21: {  	s3 =	sadd.s32 s3, s9;
	s6 =	sadd.s32 @!p0 $0x88, s6;
	s7 =	simm.s32 @p2 $0x1082  }
0x22: {  	[simem:s7], [sflag:s8] =	dma.local @!p0 [hbm:s6], $0xF7A  }
0x23: {  	s9 =	sor.u32 $0xD0000000, s2;
	s6 =	simm.s32 $0x108;
	_ =	swait.ge @!p0 [sflag:s8], $0x0  }
0x24: {  	s3 =	sadd.s32 $0x88, s3;
	s6 =	simm.s32 @!p1 $0x1082;
	[sflag:s4] =	ssyncset.s32 $0xFFFFF086  }
0x25: {  	[simem:s6], [sflag:s4] =	dma.local [hbm:s3], $0xF7A  }
0x26: {  	[smem:$0x3F9B] =	sst s1;
	(tag) =	ssettag s2;
	_ =	strace s9  }
0x27: {  	s1 =	sld [smem:$0x3FAB]  }
0x28: {  	s2 =	sld [smem:$0x3FAC]  }
0x29: {  	s4 =	sld [smem:$0x3FAE]  }
0x2a: {  	p0 =	seq.s32 s5, $0x0;
	s5 =	sld [smem:$0x3FAF]  }
0x2b: {  	s6 =	sld [smem:$0x3FB0]  }
0x2c: {  	s7 =	sld [smem:$0x3FB1]  }
0x2d: {  	s3 =	simm.s32 $0x108;
	s8 =	sld [smem:$0x3FB2]  }
0x2e: {  	s3 =	simm.s32 @!p0 $0x1082;
	s9 =	sld [smem:$0x3FB3]  }
0x2f: {  	lr =	sadd.s32 s0, s3;
	s0 =	sld [smem:$0x3FAA]  }
0x30: {  	s3 =	sld [smem:$0x3FAD]  }
0x31: {  	[smem:$0x3FB6] =	sst s10  }
0x32: {  	s10 =	sld [smem:$0x3FB4];
	_ =	sdelay $0x3  }
0x33: {  	p0 =	seq.s32 s10, $0x1;
	s10 =	sld [smem:$0x3FB6];
	_ =	sdelay $0x3  }
0x34: {  	[smem:$0x3FB6] =	sst s10  }
0x35: {  	s10 =	sld [smem:$0x3FB5];
	_ =	sdelay $0x3  }
0x36: {  	p1 =	seq.s32 s10, $0x1;
	s10 =	sld [smem:$0x3FB6];
	_ =	sdelay $0x3  }
0x37: {  	[smem:$0x3FB6] =	sst s10  }
0x38: {  	s10 =	sld [smem:$0x3FB7]  }
0x39: {  	_ = 	snop;
	(pc) =	sbr.ind lr, $3  }
0x3a: {  	_ = 	snop  }
0x3b: {  	_ = 	snop  }
0x3c: {  	p2 =	seq.s32 s10, $0x1;
	s10 =	sld [smem:$0x3FB6]  }
0x3d: {  	_ =	shalt  }
0x3e: {  	_ =	shalt  }
0x3f: {  	_ =	shalt  }
0x40: {  	_ =	shalt  }
0x41: {  	_ =	shalt  }
0x42: {  	_ =	shalt  }
0x43: {  	_ =	shalt  }
0x44: {  	_ =	shalt  }
0x45: {  	_ =	shalt  }
0x46: {  	_ =	shalt  }
0x47: {  	_ =	shalt  }
0x48: {  	_ =	shalt  }
0x49: {  	_ =	shalt  }
0x4a: {  	_ =	shalt  }
0x4b: {  	_ =	shalt  }
0x4c: {  	_ =	shalt  }
0x4d: {  	_ =	shalt  }
0x4e: {  	_ =	shalt  }
0x4f: {  	_ =	shalt  }
0x50: {  	_ =	shalt  }
0x51: {  	_ =	shalt  }
0x52: {  	_ =	shalt  }
0x53: {  	_ =	shalt  }
0x54: {  	_ =	shalt  }
0x55: {  	_ =	shalt  }
0x56: {  	_ =	shalt  }
0x57: {  	_ =	shalt  }
0x58: {  	_ =	shalt  }
0x59: {  	_ =	shalt  }
0x5a: {  	_ =	shalt  }
0x5b: {  	_ =	shalt  }
0x5c: {  	_ =	shalt  }
0x5d: {  	_ =	shalt  }
0x5e: {  	_ =	shalt  }
0x5f: {  	_ =	shalt  }
0x60: {  	_ =	shalt  }
0x61: {  	_ =	shalt  }
0x62: {  	_ =	shalt  }
0x63: {  	_ =	shalt  }
0x64: {  	_ =	shalt  }
0x65: {  	_ =	shalt  }
0x66: {  	_ =	shalt  }
0x67: {  	_ =	shalt  }
0x68: {  	_ =	shalt  }
0x69: {  	_ =	shalt  }
0x6a: {  	_ =	shalt  }
0x6b: {  	_ =	shalt  }
0x6c: {  	_ =	shalt  }
0x6d: {  	_ =	shalt  }
0x6e: {  	_ =	shalt  }
0x6f: {  	_ =	shalt  }
0x70: {  	_ =	shalt  }
0x71: {  	_ =	shalt  }
0x72: {  	_ =	shalt  }
0x73: {  	_ =	shalt  }
0x74: {  	_ =	shalt  }
0x75: {  	_ =	shalt  }
0x76: {  	_ =	shalt  }
0x77: {  	_ =	shalt  }
0x78: {  	_ =	shalt  }
0x79: {  	_ =	shalt  }
0x7a: {  	_ =	shalt  }
0x7b: {  	_ =	shalt  }
0x7c: {  	_ =	shalt  }
0x7d: {  	_ =	shalt  }
0x7e: {  	_ =	shalt  }
0x7f: {  	_ =	shalt  }
0x80: {  	_ =	shalt  }
0x81: {  	_ =	shalt  }
0x82: {  	_ =	shalt  }
0x83: {  	_ =	shalt  }
0x84: {  	_ =	shalt  }
0x85: {  	_ =	shalt  }
0x86: {  	_ =	shalt  }
0x87: {  	_ =	shalt  }
.Lfunc_end0:
.L_simem_size_0:
called_computation.1_lowered:
.L_overlay_start_0:
0x88: {  	s2 =	sld [smem:$0x3FD9]  }
0x89: {  	s3 =	sld [smem:$0x3FFE];
	_ =	sdelay $0x1  }
0x8a: {  	s1 =	srdreg.scid  }
0x8b: {  	s0 =	sand.u32 $0x1, s1  }
0x8c: {  	s18 =	sshll.u32 s0, $0xA;
	s2 =	sadd.s32 s3, s2  }
0x8d: {  	s2 =	sadd.s32 s2, s18  }
0x8e: {  	[smem:$0x3FC2] =	sst s2  }
0x8f: {  	_ = 	snop  }
0x90: {  	s2 =	sld [smem:$0x3FC9]  }
0x91: {  	s19 =	sld [smem:$0x3FC8]  }
0x92: {  	s4 =	sld [smem:$0x3FD0];
	(tm) =	ssettm $0x1  }
0x93: {  	s5 =	sld [smem:$0x3FFB];
	_ =	sdelay $0x3  }
0x94: {  	_ =	strace s5  }
0x95: {  	s5 =	sld [smem:$0x3FFC];
	_ =	sdelay $0x3  }
0x96: {  	_ =	strace s5  }
0x97: {  	s5 =	sld [smem:$0x3FFD];
	_ =	sdelay $0x3  }
0x98: {  	_ =	strace s5  }
0x99: {  	_ =	strace $0x8FFFFFFF  }
0x9a: {  	s20 =	sld [smem:$0x3FDB];
	_ =	sdelay $0x1  }
0x9b: {  	s6 =	simm.s32 $_scs_section_size  }
0x9c: {  	s7 =	simm.s32 $_size__tile_overlayer_lowered;
	s8 =	simm.s32 $_tile_overlayer_lowered  }
0x9d: {  	s23 =	simm.s32 $0x1BFF;
	s22 =	sshll.u32 s8, $0x1;
	s5 =	sadd.s32 s6, s20  }
0x9e: {  	s9 =	simm.s32 $0x0;
	s21 =	sshll.u32 s7, $0x1;
	s7 =	sadd.s32 s22, s5  }
0x9f: {  	[timem:s9], [sflag:s23] =	dma.local [hbm:s7], s21  }
0xa0: {  	_ =	swait.ge [sflag:s23], s21  }
0xa1: {  	s6 =	ssub.s32 $0x0, s21;
	[sflag:s23] =	ssyncset.done $0x0  }
0xa2: {  	[sflag:s23] =	ssyncadd.s32 s6;
	_ =	sdelay $0x1  }
0xa3: {  	s24 =	simm.s32 $0x1B8B  }
0xa4: {  	_ =	swait.ge [sflag:s24], $0x1  }
0xa5: {  	[sflag:s24] =	ssyncset.done $0x0  }
0xa6: {  	s25 =	simm.s32 $0x1B8E;
	[sflag:s24] =	ssyncadd.s32 $0xFFFFFFFF  }
0xa7: {  	s26 =	simm.s32 $execute0_lowered;
	[smem:$0x3FD2] =	sst s25  }
0xa8: {  	s6 =	sshll.u32 s26, $0x1;
	_ =	strace $0x80000046;
	[dreg:$0x1] =	wrdreg $0xFFFFFFFF  }
0xa9: {  	s28 =	simm.s32 $_size_execute0_lowered;
	s5 =	sadd.s32 s5, s6;
	[dreg:$0x0] =	wrdreg $0x0  }
0xaa: {  	s6 =	sshll.u32 s28, $0x1;
	[dreg:$0x2] =	wrdreg s5  }
0xab: {  	[dreg:$0x3] =	wrdreg s6  }
0xac: {  	[dreg:$0x4] =	wrdreg $0xC0  }
0xad: {  	_ =	task [dreg:s9], $0x5FFFF  }
0xae: {  	[dreg:$0x1] =	wrdreg $0xFFFFFFFF  }
0xaf: {  	[dreg:$0x0] =	wrdreg $0x60  }
0xb0: {  	[dreg:$0x2] =	wrdreg s2  }
0xb1: {  	[dreg:$0x3] =	wrdreg s19  }
0xb2: {  	[dreg:$0x4] =	wrdreg s4  }
0xb3: {  	[dreg:$0x5] =	wrdreg $0x9  }
0xb4: {  	_ =	task.clear_ibuf [dreg:s9], $0x6FFFF;
	_ =	strace $0x90000046  }
0xb5: {  	s29 =	simm.s32 $0x9;
	_ =	strace $0x80000048  }
0xb6: {  	_ =	swait.ge [sflag:s29], $0x1  }
0xb7: {  	[sflag:s29] =	ssyncadd.s32 $0xFFFFFFFF  }
0xb8: {  	_ =	strace $0x90000048  }
0xb9: {  	_ =	sfence  }
0xba: {  	s30 =	sld [smem:$0x0];
	_ =	sdelay $0x2  }
0xbb: {  	s31 =	sshll.u32 s1, $0xD;
	s1 =	sshrl.u32 s1, $0x2  }
0xbc: {  	s3 =	sand.u32 $0x4000, s31;
	s1 =	sadd.s32 s1, s30  }
0xbd: {  	s0 =	sor.u32 s3, s0;
	s1 =	sshll.u32 s1, $0x11  }
0xbe: {  	s0 =	sor.u32 s1, s0  }
0xbf: {  	s0 =	sadd.s32 $0x8F2B, s0  }
0xc0: {  	[sflag:s0] =	ssyncadd.remote.s32 $0x1  }
0xc1: {  	_ =	sfence.sel $0xFFFF  }
0xc2: {  	[dreg:$0x0] =	wrdreg $0xFFFFFFFF;
	(pc) =	sbr.abs _section_cstart, $3  }
0xc3: {  	[dreg:$0x1] =	wrdreg $0xFFFFFFFF  }
0xc4: {  	_ =	task.clear_ibuf [dreg:s9], $0x2FFFF;
	_ =	strace $0x9FFFFFFF  }
0xc5: {  	(tm) =	ssettm $0x7FFFFFFF  }
tec
execute0_lowered:
.L_overlay_start_1:
0x0: {  	(tag) =	ssettag $0x1  }
0x1: {  	s1 =	rddreg [dreg:$0x0]  }
0x2: {  	s3 =	srdreg.scid;
	s2 =	rddreg [dreg:$0x1]  }
0x3: {  	s0 =	stileid.u32;
	s5 =	rddreg [dreg:$0x2]  }
0x4: {  	s15 =	simm.s32 $0x880;
	s16 =	simm.s32 $0x1080;
	s17 =	simm.s32 $0x1880  }
0x5: {  	s19 =	simm.s32 $0x2080;
	s4 =	sand.u32 $0x1, s3;
	s3 =	simm.s32 $0x0  }
0x6: {  	s21 =	simm.s32 $0x2880;
	s22 =	simm.s32 $0x3080;
	[smem:$0x7FF] =	sst s3  }
0x7: {  	s23 =	simm.s32 $0x3880;
	_ =	strace $0x80000047;
	[dreg:$0x6] =	wrdreg s15  }
0x8: {  	s24 =	simm.s32 $0x4080;
	s25 =	simm.s32 $0x4880;
	[dreg:$0x7] =	wrdreg s16  }
0x9: {  	s8 =	simm.s32 $0x2;
	s26 =	simm.s32 $0x5080;
	[dreg:$0x8] =	wrdreg s17  }
0xa: {  	s9 =	simm.s32 $0x80;
	s11 =	simm.s32 $0x6080;
	[dreg:$0x9] =	wrdreg s19  }
0xb: {  	s12 =	simm.s32 $0x6880;
	s13 =	simm.s32 $0x7080;
	[dreg:$0xa] =	wrdreg s21  }
0xc: {  	s28 =	simm.s32 $0xE080;
	s29 =	simm.s32 $0xE880;
	[dreg:$0xb] =	wrdreg s22  }
0xd: {  	s30 =	simm.s32 $0xF080;
	s31 =	simm.s32 $0xF880;
	[dreg:$0xc] =	wrdreg s23  }
0xe: {  	s6 =	sshll.u32 s0, $0x7;
	s7 =	sshll.u32 s4, $0x6;
	[dreg:$0xd] =	wrdreg s24  }
0xf: {  	s4 =	ssub.s32 $0x2, s4;
	s6 =	sor.u32 s7, s6;
	[dreg:$0xe] =	wrdreg s25  }
0x10: {  	s18 =	sshrl.u32 s4, $0x1;
	[dreg:$0xf] =	wrdreg s26;
	s15 =	simm.s32 $0x8080  }
0x11: {  	s16 =	simm.s32 $0x8880;
	s17 =	simm.s32 $0x9080;
	s19 =	simm.s32 $0xA080  }
0x12: {  	s21 =	simm.s32 $0xB080;
	s22 =	simm.s32 $0xB880;
	s23 =	simm.s32 $0xC080  }
0x13: {  	s24 =	simm.s32 $0xC880;
	s25 =	simm.s32 $0xD080;
	s26 =	simm.s32 $0xD880  }
0x14: {  	s7 =	sshrl.u32 s6, $0x3;
	s6 =	sshll.u32 s6, $0x7;
	s20 =	ssub.s32 s4, s18  }
0x15: {  	s4 =	sadd.s32 $0x100, s2;
	s18 =	simm.s32 $0x9880;
	s1 =	sadd.s32 s1, s7  }
0x16: {  	v2 =	vlaneseq.u32;
	s14 =	sadd.s32 s5, s6;
	s5 =	sadd.s32 $0x200, s2;
	s6 =	sadd.s32 $0x300, s2  }
0x17: {  	vm0 =	vmmov $0xffff;
	v1 =	vshrl.u32 v2, $0x3;
	s7 =	smax.u32 s20, $0x1;
	s20 =	simm.s32 $0xA880;
	[dreg:$0x4] =	wrdreg s1  }
0x18: {  	v0 =	vand.u32 $0x7, v2;
	v2 =	vor.u32 $0x8, v2;
	v1 =	vmul.u32 $0x8, v1;
	[dreg:$0x5] =	wrdreg s14;
	s14 =	simm.s32 $0x7880;
	s1 =	simm.s32 $0x1  }
.LBB2_1:
0x19: {  	s0 =	rddreg [dreg:$0x4]  }
0x1a: {  	[tilespmem:s3], [sflag:$0x2] =	stream.linear.gather [hbm4b:s0+s3], $0x40, $0x38;
	[tilespmem:$0x10080] =	vst v63  }
0x1b: {  	_ =	swait.ge [sflag:s8], $0x40  }
0x1c: {  	[sflag:s8] =	ssyncset.done $0x0  }
0x1d: {  	[sflag:s8] =	ssyncadd.s32 $0xFFFFFFC0  }
0x1e: {  	v3 =	vld [tilespmem:$0x0];
	_ =	sdelay $0x4  }
0x1f: {  	v4 =	vshll.u32 v3, $0x3  }
0x20: {  	v3 =	vand.u32 $0x7, v3;
	v4 =	vand.u32 $0xFFFFFFC0, v4  }
0x21: {  	v3 =	vor.u32 v3, v4  }
0x22: {  	v4 =	vperm.xlane v3, v0;
	_ =	sdelay $0x1  }
0x23: {  	v4 =	vadd.s32 v1, v4;
	_ =	sdelay $0x4  }
0x24: {  	[tilespmem:s9], [sflag:$0x1] =	stream.indirect_vreg.gather [hbm4b:s2+s3], $0x80, v4, vm0, $0xb8;
	[tilespmem:$0x10080] =	vst v63  }
0x25: {  	s0 =	rddreg [dreg:$0x6];
	v3 =	vperm.xlane v3, v2  }
0x26: {  	[tilespmem:s0], [sflag:$0x1] =	stream.indirect_vreg.gather [hbm4b:s4+s3], $0x80, v4, vm0, $0xb8;
	[tilespmem:$0x10080] =	vst v63  }
0x27: {  	s10 =	rddreg [dreg:$0x7];
	v3 =	vadd.s32 v1, v3  }
0x28: {  	[tilespmem:s10], [sflag:$0x1] =	stream.indirect_vreg.gather [hbm4b:s5+s3], $0x80, v4, vm0, $0xb8;
	[tilespmem:$0x10080] =	vst v63  }
0x29: {  	s0 =	rddreg [dreg:$0x8]  }
0x2a: {  	[tilespmem:s0], [sflag:$0x1] =	stream.indirect_vreg.gather [hbm4b:s6+s3], $0x80, v4, vm0, $0xb8;
	[tilespmem:$0x10080] =	vst v63  }
0x2b: {  	s10 =	rddreg [dreg:$0x9]  }
0x2c: {  	[tilespmem:s10], [sflag:$0x1] =	stream.indirect_vreg.gather [hbm4b:s2+s3], $0x80, v3, vm0, $0xb8;
	[tilespmem:$0x10080] =	vst v63  }
0x2d: {  	s0 =	rddreg [dreg:$0xa]  }
0x2e: {  	[tilespmem:s0], [sflag:$0x1] =	stream.indirect_vreg.gather [hbm4b:s4+s3], $0x80, v3, vm0, $0xb8;
	[tilespmem:$0x10080] =	vst v63  }
0x2f: {  	s10 =	rddreg [dreg:$0xb]  }
0x30: {  	[tilespmem:s10], [sflag:$0x1] =	stream.indirect_vreg.gather [hbm4b:s5+s3], $0x80, v3, vm0, $0xb8;
	[tilespmem:$0x10080] =	vst v63  }
0x31: {  	s0 =	rddreg [dreg:$0xc]  }
0x32: {  	[tilespmem:s0], [sflag:$0x1] =	stream.indirect_vreg.gather [hbm4b:s6+s3], $0x80, v3, vm0, $0xb8;
	[tilespmem:$0x10080] =	vst v63  }
0x33: {  	v3 =	vld [tilespmem:$0x10];
	_ =	sdelay $0x4  }
0x34: {  	v61 =	vshll.u32 v3, $0x3  }
0x35: {  	v3 =	vand.u32 $0x7, v3;
	v4 =	vand.u32 $0xFFFFFFC0, v61  }
0x36: {  	v3 =	vor.u32 v3, v4  }
0x37: {  	v4 =	vperm.xlane v3, v0;
	_ =	sdelay $0x1  }
0x38: {  	v4 =	vadd.s32 v1, v4;
	_ =	sdelay $0x3  }
0x39: {  	s0 =	rddreg [dreg:$0xd]  }
0x3a: {  	[tilespmem:s0], [sflag:$0x1] =	stream.indirect_vreg.gather [hbm4b:s2+s3], $0x80, v4, vm0, $0xb8;
	[tilespmem:$0x10080] =	vst v63  }
0x3b: {  	s10 =	rddreg [dreg:$0xe];
	v3 =	vperm.xlane v3, v2  }
0x3c: {  	[tilespmem:s10], [sflag:$0x1] =	stream.indirect_vreg.gather [hbm4b:s4+s3], $0x80, v4, vm0, $0xb8;
	[tilespmem:$0x10080] =	vst v63  }
0x3d: {  	v3 =	vadd.s32 v1, v3;
	s0 =	rddreg [dreg:$0xf]  }
0x3e: {  	[tilespmem:s0], [sflag:$0x1] =	stream.indirect_vreg.gather [hbm4b:s5+s3], $0x80, v4, vm0, $0xb8;
	[tilespmem:$0x10080] =	vst v63  }
0x3f: {  	s10 =	simm.s32 $0x5880  }
0x40: {  	[tilespmem:s10], [sflag:$0x1] =	stream.indirect_vreg.gather [hbm4b:s6+s3], $0x80, v4, vm0, $0xb8;
	[tilespmem:$0x10080] =	vst v63  }
0x41: {  	_ = 	snop  }
0x42: {  	[tilespmem:s11], [sflag:$0x1] =	stream.indirect_vreg.gather [hbm4b:s2+s3], $0x80, v3, vm0, $0xb8;
	[tilespmem:$0x10080] =	vst v63  }
0x43: {  	_ = 	snop  }
0x44: {  	[tilespmem:s12], [sflag:$0x1] =	stream.indirect_vreg.gather [hbm4b:s4+s3], $0x80, v3, vm0, $0xb8;
	[tilespmem:$0x10080] =	vst v63  }
0x45: {  	_ = 	snop  }
0x46: {  	[tilespmem:s13], [sflag:$0x1] =	stream.indirect_vreg.gather [hbm4b:s5+s3], $0x80, v3, vm0, $0xb8;
	[tilespmem:$0x10080] =	vst v63  }
0x47: {  	_ = 	snop  }
0x48: {  	[tilespmem:s14], [sflag:$0x1] =	stream.indirect_vreg.gather [hbm4b:s6+s3], $0x80, v3, vm0, $0xb8;
	[tilespmem:$0x10080] =	vst v63  }
0x49: {  	v3 =	vld [tilespmem:$0x20];
	_ =	sdelay $0x4  }
0x4a: {  	v62 =	vshll.u32 v3, $0x3  }
0x4b: {  	v3 =	vand.u32 $0x7, v3;
	v4 =	vand.u32 $0xFFFFFFC0, v62  }
0x4c: {  	v3 =	vor.u32 v3, v4  }
0x4d: {  	v4 =	vperm.xlane v3, v0;
	_ =	sdelay $0x1  }
0x4e: {  	v4 =	vadd.s32 v1, v4;
	_ =	sdelay $0x4  }
0x4f: {  	[tilespmem:s15], [sflag:$0x1] =	stream.indirect_vreg.gather [hbm4b:s2+s3], $0x80, v4, vm0, $0xb8;
	[tilespmem:$0x10080] =	vst v63  }
0x50: {  	v3 =	vperm.xlane v3, v2  }
0x51: {  	[tilespmem:s16], [sflag:$0x1] =	stream.indirect_vreg.gather [hbm4b:s4+s3], $0x80, v4, vm0, $0xb8;
	[tilespmem:$0x10080] =	vst v63  }
0x52: {  	v3 =	vadd.s32 v1, v3  }
0x53: {  	[tilespmem:s17], [sflag:$0x1] =	stream.indirect_vreg.gather [hbm4b:s5+s3], $0x80, v4, vm0, $0xb8;
	[tilespmem:$0x10080] =	vst v63  }
0x54: {  	_ = 	snop  }
0x55: {  	[tilespmem:s18], [sflag:$0x1] =	stream.indirect_vreg.gather [hbm4b:s6+s3], $0x80, v4, vm0, $0xb8;
	[tilespmem:$0x10080] =	vst v63  }
0x56: {  	_ = 	snop  }
0x57: {  	[tilespmem:s19], [sflag:$0x1] =	stream.indirect_vreg.gather [hbm4b:s2+s3], $0x80, v3, vm0, $0xb8;
	[tilespmem:$0x10080] =	vst v63  }
0x58: {  	_ = 	snop  }
0x59: {  	[tilespmem:s20], [sflag:$0x1] =	stream.indirect_vreg.gather [hbm4b:s4+s3], $0x80, v3, vm0, $0xb8;
	[tilespmem:$0x10080] =	vst v63  }
0x5a: {  	_ = 	snop  }
0x5b: {  	[tilespmem:s21], [sflag:$0x1] =	stream.indirect_vreg.gather [hbm4b:s5+s3], $0x80, v3, vm0, $0xb8;
	[tilespmem:$0x10080] =	vst v63  }
0x5c: {  	_ = 	snop  }
0x5d: {  	[tilespmem:s22], [sflag:$0x1] =	stream.indirect_vreg.gather [hbm4b:s6+s3], $0x80, v3, vm0, $0xb8;
	[tilespmem:$0x10080] =	vst v63  }
0x5e: {  	v3 =	vld [tilespmem:$0x30];
	_ =	sdelay $0x4  }
0x5f: {  	v63 =	vshll.u32 v3, $0x3  }
0x60: {  	v3 =	vand.u32 $0x7, v3;
	v4 =	vand.u32 $0xFFFFFFC0, v63  }
0x61: {  	v3 =	vor.u32 v3, v4  }
0x62: {  	v4 =	vperm.xlane v3, v0;
	_ =	sdelay $0x1  }
0x63: {  	v4 =	vadd.s32 v1, v4;
	_ =	sdelay $0x4  }
0x64: {  	[tilespmem:s23], [sflag:$0x1] =	stream.indirect_vreg.gather [hbm4b:s2+s3], $0x80, v4, vm0, $0xb8;
	[tilespmem:$0x10080] =	vst v63  }
0x65: {  	v3 =	vperm.xlane v3, v2  }
0x66: {  	[tilespmem:s24], [sflag:$0x1] =	stream.indirect_vreg.gather [hbm4b:s4+s3], $0x80, v4, vm0, $0xb8;
	[tilespmem:$0x10080] =	vst v63  }
0x67: {  	v3 =	vadd.s32 v1, v3  }
0x68: {  	[tilespmem:s25], [sflag:$0x1] =	stream.indirect_vreg.gather [hbm4b:s5+s3], $0x80, v4, vm0, $0xb8;
	[tilespmem:$0x10080] =	vst v63  }
0x69: {  	_ = 	snop  }
0x6a: {  	[tilespmem:s26], [sflag:$0x1] =	stream.indirect_vreg.gather [hbm4b:s6+s3], $0x80, v4, vm0, $0xb8;
	[tilespmem:$0x10080] =	vst v63  }
0x6b: {  	_ = 	snop  }
0x6c: {  	[tilespmem:s28], [sflag:$0x1] =	stream.indirect_vreg.gather [hbm4b:s2+s3], $0x80, v3, vm0, $0xb8;
	[tilespmem:$0x10080] =	vst v63  }
0x6d: {  	_ = 	snop  }
0x6e: {  	[tilespmem:s29], [sflag:$0x1] =	stream.indirect_vreg.gather [hbm4b:s4+s3], $0x80, v3, vm0, $0xb8;
	[tilespmem:$0x10080] =	vst v63  }
0x6f: {  	_ = 	snop  }
0x70: {  	[tilespmem:s30], [sflag:$0x1] =	stream.indirect_vreg.gather [hbm4b:s5+s3], $0x80, v3, vm0, $0xb8;
	[tilespmem:$0x10080] =	vst v63  }
0x71: {  	_ = 	snop  }
0x72: {  	[tilespmem:s31], [sflag:$0x1] =	stream.indirect_vreg.gather [hbm4b:s6+s3], $0x80, v3, vm0, $0xb8;
	[tilespmem:$0x10080] =	vst v63  }
0x73: {  	_ =	swait.ge [sflag:s1], $0x10000  }
0x74: {  	p0 =	sne.s32 s7, $0x1;
	[sflag:s1] =	ssyncset.done $0x0  }
.Ltmp0:
0x75: {  	s10 =	rddreg [dreg:$0x5];
	[sflag:s1] =	ssyncadd.s32 $0xFFFF0000;
	(pc) =	sbr.rel @p0 .LBB2_1-.Ltmp0, $4  }
0x76: {  	[hbm4b:s10+s3] =	stream.linear.scatter [tilespmem:s9], [sflag:$0x2], $0x10000, $0x38;
	[tilespmem:$0x10080] =	vst v63  }
0x77: {  	_ =	swait.ge [sflag:s8], $0x10000  }
0x78: {  	[sflag:s8] =	ssyncset.done $0x0  }
0x79: {  	s7 =	sadd.s32 $0xFFFFFFFF, s7;
	[sflag:s8] =	ssyncadd.s32 $0xFFFF0000  }
0x7a: {  	_ =	sfence.sel $0x180000  }
0x7b: {  	[bflag:$0x0] =	sbarrier.arrive $0xFFFF  }
0x7c: {  	_ =	strace $0x90000047  }
0x7d: {  	s0 =	stileid.u32;
	[bflag:$0x2] =	sbarrier.arrive $0xFFFF  }
0x7e: {  	p0 =	sne.s32 s0, $0x0;
	s0 =	rddreg [dreg:$0x3]  }
0x7f: {  	s0 =	sadd.s32 @!p0 $0x100000, s0  }
0x80: {  	[sflag:s0] =	ssyncadd.tile.s32 @!p0 $0x1;
	_ =	shalt  }
.Lfunc_end2:
_tile_overlayer_lowered:
.L_overlay_start_2:
0x81: {  	(tag) =	ssettag $0x2  }
0x82: {  	s0 =	rddreg [dreg:$0x0];
	s2 =	stileid.u32  }
0x83: {  	s1 =	rddreg [dreg:$0x1];
	p0 =	sne.s32 s2, $0x0  }
0x84: {  	s3 =	rddreg [dreg:$0x2];
	[bflag:$0x3] =	sbarrier.arrive $0xFFFF;
	s2 =	simm.s32 @!p0 $0x1C02  }
0x85: {  	[timem:s3], [sflag:s2] =	dma.local @!p0 [hbm:s0], s1  }
0x86: {  	s0 =	simm.s32 @!p0 $0x2  }
0x87: {  	_ =	swait.ge @!p0 [sflag:s0], s1  }
0x88: {  	s1 =	ssub.s32 @!p0 $0x0, s1;
	[sflag:s0] =	ssyncset.done @!p0 $0x0  }
0x89: {  	[sflag:s0] =	ssyncadd.s32 @!p0 s1  }
0x8a: {  	[bflag:$0x3] =	sbarrier.arrive $0xFFFF  }
0x8b: {  	_ =	shalt  }

// kernel: sparse-core-data-format-call.cloned.1.call-start
scs
called_computation_lowered:
.L_overlay_start_0:
0x0: {  	s2 =	sld [smem:$0x3FD9]  }
0x1: {  	s3 =	sld [smem:$0x3FFE];
	_ =	sdelay $0x1  }
0x2: {  	s1 =	srdreg.scid  }
0x3: {  	s0 =	sand.u32 $0x1, s1  }
0x4: {  	s18 =	sshll.u32 s0, $0xA;
	s2 =	sadd.s32 s3, s2  }
0x5: {  	s2 =	sadd.s32 s2, s18  }
0x6: {  	[smem:$0x3FC2] =	sst s2  }
0x7: {  	_ = 	snop  }
0x8: {  	s2 =	sld [smem:$0x3FD0];
	(tm) =	ssettm $0x1  }
0x9: {  	s19 =	sld [smem:$0x3FFB];
	_ =	sdelay $0x3  }
0xa: {  	_ =	strace s19  }
0xb: {  	s3 =	sld [smem:$0x3FFC];
	_ =	sdelay $0x3  }
0xc: {  	_ =	strace s3  }
0xd: {  	s3 =	sld [smem:$0x3FFD];
	_ =	sdelay $0x3  }
0xe: {  	_ =	strace s3  }
0xf: {  	_ =	strace $0x8FFFFFFF  }
0x10: {  	s20 =	sld [smem:$0x3FDB];
	_ =	sdelay $0x1  }
0x11: {  	s4 =	simm.s32 $_scs_section_size  }
0x12: {  	s5 =	simm.s32 $_size__tile_overlayer_lowered;
	s6 =	simm.s32 $_tile_overlayer_lowered  }
0x13: {  	s23 =	simm.s32 $0x1BFF;
	s22 =	sshll.u32 s6, $0x1;
	s3 =	sadd.s32 s4, s20  }
0x14: {  	s7 =	simm.s32 $0x0;
	s21 =	sshll.u32 s5, $0x1;
	s5 =	sadd.s32 s22, s3  }
0x15: {  	[timem:s7], [sflag:s23] =	dma.local [hbm:s5], s21  }
0x16: {  	_ =	swait.ge [sflag:s23], s21  }
0x17: {  	s4 =	ssub.s32 $0x0, s21;
	[sflag:s23] =	ssyncset.done $0x0  }
0x18: {  	[sflag:s23] =	ssyncadd.s32 s4;
	_ =	sdelay $0x1  }
0x19: {  	s24 =	simm.s32 $0x1B8B  }
0x1a: {  	_ =	swait.ge [sflag:s24], $0x1  }
0x1b: {  	[sflag:s24] =	ssyncset.done $0x0  }
0x1c: {  	s26 =	simm.s32 $0x1B8E;
	s25 =	sld [smem:$0x3FFE];
	[sflag:s24] =	ssyncadd.s32 $0xFFFFFFFF  }
0x1d: {  	s27 =	simm.s32 $execute0_lowered;
	[smem:$0x3FD2] =	sst s26  }
0x1e: {  	s5 =	sshll.u32 s27, $0x1;
	_ =	strace $0x80000049;
	[dreg:$0x1] =	wrdreg $0xFFFFFFFF  }
0x1f: {  	s28 =	simm.s32 $_size_execute0_lowered;
	s3 =	sadd.s32 s3, s5;
	[dreg:$0x0] =	wrdreg $0x0  }
0x20: {  	s5 =	sshll.u32 s28, $0x1;
	[dreg:$0x2] =	wrdreg s3  }
0x21: {  	[dreg:$0x3] =	wrdreg s5  }
0x22: {  	[dreg:$0x4] =	wrdreg $0xC0  }
0x23: {  	_ =	task [dreg:s7], $0x5FFFF  }
0x24: {  	[dreg:$0x1] =	wrdreg $0xFFFFFFFF  }
0x25: {  	[dreg:$0x0] =	wrdreg $0x60  }
0x26: {  	[dreg:$0x2] =	wrdreg s25  }
0x27: {  	[dreg:$0x3] =	wrdreg s2  }
0x28: {  	[dreg:$0x4] =	wrdreg $0x9  }
0x29: {  	_ =	task.clear_ibuf [dreg:s7], $0x5FFFF;
	_ =	strace $0x90000049  }
0x2a: {  	s29 =	simm.s32 $0x9;
	_ =	strace $0x8000004B  }
0x2b: {  	_ =	swait.ge [sflag:s29], $0x1  }
0x2c: {  	[sflag:s29] =	ssyncadd.s32 $0xFFFFFFFF  }
0x2d: {  	_ =	strace $0x9000004B  }
0x2e: {  	_ =	sfence  }
0x2f: {  	s30 =	sld [smem:$0x0];
	_ =	sdelay $0x2  }
0x30: {  	s31 =	sshll.u32 s1, $0xD;
	s1 =	sshrl.u32 s1, $0x2  }
0x31: {  	s3 =	sand.u32 $0x4000, s31;
	s1 =	sadd.s32 s1, s30  }
0x32: {  	s0 =	sor.u32 s3, s0;
	s1 =	sshll.u32 s1, $0x11  }
0x33: {  	s0 =	sor.u32 s1, s0  }
0x34: {  	s0 =	sadd.s32 $0x8F2B, s0  }
0x35: {  	[sflag:s0] =	ssyncadd.remote.s32 $0x1  }
0x36: {  	_ =	sfence.sel $0xFFFF  }
0x37: {  	[dreg:$0x0] =	wrdreg $0xFFFFFFFF;
	(pc) =	sbr.abs _section_cstart, $3  }
0x38: {  	[dreg:$0x1] =	wrdreg $0xFFFFFFFF  }
0x39: {  	_ =	task.clear_ibuf [dreg:s7], $0x2FFFF;
	_ =	strace $0x9FFFFFFF  }
0x3a: {  	(tm) =	ssettm $0x7FFFFFFF  }
0x3b: {  	_ =	shalt  }
tec
execute0_lowered:
.L_overlay_start_1:
0x0: {  	(tag) =	ssettag $0x1  }
0x1: {  	s0 =	stileid.u32  }
0x2: {  	s2 =	srdreg.scid;
	s7 =	rddreg [dreg:$0x0]  }
0x3: {  	s3 =	rddreg [dreg:$0x1];
	s6 =	simm.s32 $0x1;
	s31 =	simm.s32 $0x2  }
0x4: {  	s16 =	simm.s32 $0x0;
	s9 =	simm.s32 $0x800;
	s15 =	simm.s32 $0x0  }
0x5: {  	s10 =	simm.s32 $0x0;
	s11 =	simm.s32 $0x0;
	s1 =	sshll.u32 s0, $0x7  }
0x6: {  	s14 =	simm.s32 $0x0;
	s2 =	sshll.u32 s2, $0x7;
	s5 =	ssub.s32 $0x800, s1  }
0x7: {  	s7 =	sadd.s32 $0x1200, s7;
	s4 =	sand.u32 $0x80, s2;
	s29 =	sand.u32 $0x780, s5  }
0x8: {  	s30 =	ssub.s32 $0xC400, s4;
	s5 =	sshrl.u32 s5, $0xB;
	p0 =	sne.s32 s29, $0x0  }
.Ltmp0:
0x9: {  	s8 =	sshrl.u32 s30, $0x8;
	s6 =	simm.s32 @!p0 $0x0;
	(pc) =	sbr.rel .LBB1_1-.Ltmp0, $4  }
0xa: {  	s2 =	rddreg [dreg:$0x2];
	s8 =	sadd.s32 $0x1, s8;
	s6 =	sadd.s32 s6, s5  }
0xb: {  	_ =	strace $0x8000004A;
	s5 =	simm.s32 $0x1;
	s6 =	smul.u32 s8, s6  }
0xc: {  	s13 =	smov.u32 s1;
	s12 =	smov.u32 s4;
	[sflag:s5] =	ssyncpa.u1 $0x0  }
0xd: {  	p0 =	por $0x0, $0x0;
	[sflag:s31] =	ssyncpa.u1 $0x0;
	s8 =	sadd.s32 $0x1, s6  }
.LBB1_4:
0xe: {  	v5 =	vld [tilespmem:s18+$0xFFFFFFD0];
	[tilespmem:s20+$0x2040 ss:$0x81] =	vst.msk $0xffff, v3  }
0xf: {  	v58 =	vld [tilespmem:s18+$0xFFFFFFE0];
	[tilespmem:s20+$0x2850 ss:$0x81] =	vst.msk $0xffff, v4;
	s21 =	sshra.s32 s21, $0x2;
	p1 =	sgt.s32 s10, $0xC3D1;
	s22 =	smov.u32 s10  }
0x10: {  	v59 =	vld [tilespmem:s18+$0xFFFFFFF0];
	[tilespmem:s20+$0x3060 ss:$0x81] =	vst.msk $0xffff, v2;
	s30 =	sshra.s32 s10, $0x1F;
	s23 =	sshra.s32 s11, $0x1F;
	s19 =	sadd.s32 s21, s19  }
0x11: {  	v60 =	vld [tilespmem:s18+$0x0];
	[tilespmem:s20+$0x0 ss:$0x81] =	vst.msk $0xffff, v1;
	s22 =	simm.s32 @!p1 $0xC3D1;
	p1 =	sgt.s32 s11, $0x780;
	s21 =	smov.u32 s11  }
0x12: {  	v61 =	vld [tilespmem:s18+$0x10];
	s31 =	sand.u32 s30, s10;
	s23 =	sand.u32 s23, s11;
	[tilespmem:s19+$0x3870 ss:$0x81] =	vst.msk $0xffff, v0;
	s21 =	simm.s32 @!p1 $0x780  }
0x13: {  	v62 =	vld [tilespmem:s18+$0x20];
	s20 =	ssub.s32 s22, s31;
	s21 =	ssub.s32 s21, s23;
	[tilespmem:s19+$0x810 ss:$0x81] =	vst.msk $0xffff, v5  }
0x14: {  	v63 =	vld [tilespmem:s18+$0xFFFFFFC0];
	s24 =	sadd.s32 $0xFFFF3C2F, s20;
	s20 =	ssub.s32 $0xC451, s20;
	s25 =	sadd.s32 $0xFFFFF880, s21;
	[tilespmem:s19+$0x1020 ss:$0x81] =	vst.msk $0xffff, v58  }
0x15: {  	p1 =	sgt.s32 s24, $0x7F;
	s18 =	ssub.s32 $0x800, s21;
	[tilespmem:s19+$0x1830 ss:$0x81] =	vst.msk $0xffff, v59;
	p2 =	sgt.s32 s25, $0x7F  }
0x16: {  	s26 =	sshrl.u32 s11, $0x3;
	s20 =	simm.s32 @p1 $0x0;
	[tilespmem:s19+$0x2040 ss:$0x81] =	vst.msk $0xffff, v60;
	s18 =	simm.s32 @p2 $0x0  }
0x17: {  	s28 =	sand.u32 $0x7, s11;
	s27 =	sand.u32 $0xFF, s26;
	[tilespmem:s19+$0x2850 ss:$0x81] =	vst.msk $0xffff, v61;
	s18 =	smul.u32 s18, s20  }
0x18: {  	s29 =	sshll.u32 s10, $0x8;
	s21 =	sshll.u32 s28, $0x12;
	[tilespmem:s19+$0x3060 ss:$0x81] =	vst.msk $0xffff, v62;
	s20 =	sadd.s32 s3, s27  }
0x19: {  	[tilespmem:s19+$0x0 ss:$0x81] =	vst.msk $0xffff, v63;
	s31 =	sor.u32 $0x80, s21;
	s30 =	sadd.s32 s29, s20;
	s18 =	sand.u32 $0x3FFFFFFF, s18  }
0x1a: {  	[hbm4b:s30+s31] =	stream.strided.scatter [tilespmem:s17], [sflag:$0x2], s18, s9, s31, $0x20;
	[tilespmem:$0x10100] =	vst v63  }
.LBB1_5:
0x1b: {  	p1 =	slt.u32 s14, $0x2  }
0x1c: {  	s18 =	smov.u32 s16;
	p2 =	sgt.s32 @!p1 s16, $0xC3D1;
	s17 =	sshra.s32 @!p1 s16, $0x1F  }
0x1d: {  	p3 =	sgt.s32 @!p1 s15, $0x780;
	s19 =	sshra.s32 @!p1 s15, $0x1F;
	p2 =	por !p2, p1  }
0x1e: {  	s16 =	sand.u32 @!p1 s17, s16;
	p3 =	por !p3, p1;
	s17 =	smov.u32 s15  }
0x1f: {  	s15 =	sand.u32 @!p1 s19, s15;
	s18 =	simm.s32 @p2 $0xC3D1;
	s17 =	simm.s32 @p3 $0x780  }
0x20: {  	s16 =	ssub.s32 @!p1 s18, s16;
	s15 =	ssub.s32 @!p1 s17, s15  }
0x21: {  	s19 =	smov.u32 s13;
	s17 =	sadd.s32 @!p1 $0xFFFF3C2F, s16;
	s18 =	sadd.s32 @!p1 $0xFFFFF880, s15  }
0x22: {  	s16 =	ssub.s32 @!p1 $0xC451, s16;
	p2 =	sgt.s32 @!p1 s17, $0x7F;
	p3 =	sgt.s32 @!p1 s18, $0x7F  }
0x23: {  	s15 =	ssub.s32 @!p1 $0x800, s15;
	p2 =	por !p2, p1;
	p3 =	por !p3, p1  }
0x24: {  	s17 =	sadd.s32 $0x100, s12;
	s16 =	simm.s32 @!p2 $0x0;
	s15 =	simm.s32 @!p3 $0x0  }
0x25: {  	p2 =	sgt.s32 s17, $0xC450;
	s15 =	smul.u32 @!p1 s15, s16;
	s16 =	sadd.s32 $0x800, s13  }
0x26: {  	s19 =	smov.u32 @p2 s16  }
0x27: {  	s17 =	smov.u32 @p2 s4;
	p2 =	sgt.s32 s19, $0x7FF  }
0x28: {  	s19 =	smov.u32 @p2 s1;
	p2 =	sne.s32 s14, s8  }
.Ltmp1:
0x29: {  	p0 =	por !p0, !p0;
	s18 =	simm.s32 @!p1 $0x2;
	(pc) =	sbr.rel @!p2 .LBB1_6-.Ltmp1, $4  }
0x2a: {  	s16 =	smov.u32 s10;
	s10 =	smov.u32 s12;
	s15 =	sand.u32 @!p1 $0x3FFFFFFF, s15  }
0x2b: {  	s12 =	smov.u32 s17;
	_ =	swait.ge @!p1 [sflag:s18], s15;
	s20 =	ssub.s32 @!p1 $0x0, s15  }
0x2c: {  	s15 =	smov.u32 s11;
	s14 =	sadd.s32 $0x1, s14;
	[sflag:s18] =	ssyncset.done @!p1 $0x0  }
0x2d: {  	s11 =	smov.u32 s13;
	s13 =	smov.u32 s19;
	[sflag:s18] =	ssyncadd.s32 @!p1 s20  }
.LBB1_1:
0x2e: {  	p1 =	sge.u32 s14, s6  }
0x2f: {  	s17 =	sshrl.u32 @!p1 s13, $0x3  }
0x30: {  	s18 =	sshll.u32 @!p1 s12, $0x3;
	s17 =	smul.u32 @!p1 $0x62400, s17  }
0x31: {  	s19 =	sshll.u32 @!p1 s13, $0x7;
	s18 =	sand.u32 @!p1 $0xFFFFFC00, s18  }
0x32: {  	s17 =	sadd.s32 @!p1 s17, s18;
	s18 =	sand.u32 @!p1 $0x380, s19  }
0x33: {  	s19 =	sand.u32 @!p1 $0x7F, s12;
	s17 =	sor.u32 @!p1 s18, s17  }
0x34: {  	s18 =	sor.u32 @!p1 s19, s17  }
0x35: {  	s19 =	smulhi.u32 @!p1 $0xA6C21DF7, s18;
	_ =	sdelay $0x1  }
0x36: {  	s17 =	smulhi.u32 @!p1 $0xA6C21DF7, s17;
	s19 =	sshrl.u32 @!p1 s19, $0xF  }
0x37: {  	s19 =	smul.u32 @!p1 $0xC480, s19  }
0x38: {  	s31 =	sadd.s32 $0xFFFFFFFF, s14;
	s20 =	sxor.u32 @!p1 $0xFFFFFFFF, s14;
	s17 =	sshrl.u32 @!p1 s17, $0xF  }
0x39: {  	s20 =	sshll.u32 @!p1 s20, $0xE;
	s17 =	sand.u32 @!p1 $0x7FF, s17;
	s18 =	ssub.s32 @!p1 s18, s19  }
0x3a: {  	s17 =	smul.u32 @!p1 $0x1890, s17;
	s19 =	sshrl.u32 @!p1 s18, $0x3;
	s18 =	sand.u32 @!p1 $0x7, s18  }
0x3b: {  	s20 =	sand.u32 @!p1 $0x4000, s20;
	s19 =	sadd.s32 @!p1 s7, s19;
	s18 =	sshll.u32 @!p1 s18, $0x12  }
0x3c: {  	s17 =	sadd.s32 @!p1 s17, s19;
	s18 =	sor.u32 @!p1 $0x400, s18;
	s19 =	simm.s32 @!p1 $0x62400  }
0x3d: {  	[tilespmem:s20], [sflag:$0x1] =	stream.strided.gather @!p1 [hbm4b:s17+s18], $0x4000, s19, s18, $0x38;
	[tilespmem:$0x10100] =	vst v63  }
0x3e: {  	p1 =	sge.u32 s31, s6  }
.Ltmp2:
0x3f: {  	_ = 	snop;
	(pc) =	sbr.rel @p1 .LBB1_5-.Ltmp2, $1  }
0x40: {  	_ =	sdelay $0x3  }
0x41: {  	s17 =	simm.s32 $0x1  }
0x42: {  	_ =	swait.ge [sflag:s5], $0x4000;
	s17 =	simm.s32 @!p0 $0x0  }
0x43: {  	[sflag:s5] =	ssyncset.done $0x0;
	s18 =	sshll.u32 s17, $0xE  }
0x44: {  	[sflag:s5] =	ssyncadd.s32 $0xFFFFC000;
	s18 =	sor.u32 $0x40, s18  }
0x45: {  	s17 =	smul.u32 $0x10200, s17;
	v0 =	vld [tilespmem:s18+$0x30]  }
0x46: {  	v1 =	vld [tilespmem:s18+$0xFFFFFFD0]  }
0x47: {  	s17 =	sshrl.u32 s17, $0x2;
	v5 =	vld [tilespmem:s18+$0xFFFFFFE0]  }
0x48: {  	v6 =	vld [tilespmem:s18+$0xFFFFFFF0];
	s19 =	sor.u32 $0x8000, s17  }
0x49: {  	s31 =	sand.u32 $0x1, s14;
	v3 =	vld [tilespmem:s18+$0x0];
	s20 =	sadd.s32 $0x0, s19  }
0x4a: {  	v4 =	vld [tilespmem:s18+$0x10];
	s17 =	smul.u32 $0x10200, s31;
	[tilespmem:s20+$0x3870 ss:$0x81] =	vst.msk $0xffff, v0  }
0x4b: {  	v2 =	vld [tilespmem:s18+$0x20];
	[tilespmem:s20+$0x810 ss:$0x81] =	vst.msk $0xffff, v1  }
0x4c: {  	s17 =	sshrl.u32 s17, $0x2;
	v1 =	vld [tilespmem:s18+$0xFFFFFFC0];
	[tilespmem:s20+$0x1020 ss:$0x81] =	vst.msk $0xffff, v5;
	s18 =	sadd.s32 $0x80, s18  }
0x4d: {  	s21 =	simm.s32 $0x4;
	s22 =	simm.s32 $0x8;
	s17 =	sor.u32 $0x8000, s17;
	[tilespmem:s20+$0x1830 ss:$0x81] =	vst.msk $0xffff, v6;
	v0 =	vld [tilespmem:s18+$0x30]  }
.LBB1_3:
0x4e: {  	p1 =	sne.s32 s22, $0x1FC;
	v5 =	vld [tilespmem:s18+$0xFFFFFFD0];
	[tilespmem:s20+$0x2040 ss:$0x81] =	vst.msk $0xffff, v3  }
0x4f: {  	v6 =	vld [tilespmem:s18+$0xFFFFFFE0];
	[tilespmem:s20+$0x2850 ss:$0x81] =	vst.msk $0xffff, v4  }
0x50: {  	s23 =	sshra.s32 s21, $0x2;
	s21 =	smov.u32 s22;
	v7 =	vld [tilespmem:s18+$0xFFFFFFF0];
	[tilespmem:s20+$0x3060 ss:$0x81] =	vst.msk $0xffff, v2  }
.Ltmp3:
0x51: {  	v3 =	vld [tilespmem:s18+$0x0];
	[tilespmem:s20+$0x0 ss:$0x81] =	vst.msk $0xffff, v1;
	s20 =	sadd.s32 s23, s19;
	(pc) =	sbr.rel @p1 .LBB1_3-.Ltmp3, $4  }
0x52: {  	v4 =	vld [tilespmem:s18+$0x10];
	[tilespmem:s20+$0x3870 ss:$0x81] =	vst.msk $0xffff, v0  }
0x53: {  	[tilespmem:s20+$0x810 ss:$0x81] =	vst.msk $0xffff, v5;
	v2 =	vld [tilespmem:s18+$0x20]  }
0x54: {  	v1 =	vld [tilespmem:s18+$0xFFFFFFC0];
	[tilespmem:s20+$0x1020 ss:$0x81] =	vst.msk $0xffff, v6;
	s18 =	sadd.s32 $0x80, s18  }
0x55: {  	s22 =	sadd.s32 $0x4, s22;
	v0 =	vld [tilespmem:s18+$0x30];
	[tilespmem:s20+$0x1830 ss:$0x81] =	vst.msk $0xffff, v7  }
.Ltmp4:
0x56: {  	_ = 	snop;
	(pc) =	sbr.rel .LBB1_4-.Ltmp4, $1  }
0x57: {  	_ =	sdelay $0x3  }
.LBB1_6:
0x58: {  	_ =	sfence.sel $0x180000  }
0x59: {  	s1 =	simm.s32 $0x1;
	[bflag:$0x0] =	sbarrier.arrive $0xFFFF  }
0x5a: {  	s31 =	simm.s32 $0x2;
	[sflag:s1] =	ssyncpa.u1 $0x1  }
0x5b: {  	[sflag:s31] =	ssyncpa.u1 $0x1  }
0x5c: {  	p0 =	sne.s32 s0, $0x0;
	_ =	strace $0x9000004A  }
0x5d: {  	s0 =	sadd.s32 @!p0 $0x100000, s2;
	[bflag:$0x2] =	sbarrier.arrive $0xFFFF  }
0x5e: {  	[sflag:s0] =	ssyncadd.tile.s32 @!p0 $0x1;
	_ =	shalt  }
.Lfunc_end1:
_tile_overlayer_lowered:
.L_overlay_start_2:
0x5f: {  	(tag) =	ssettag $0x2  }
0x60: {  	s0 =	rddreg [dreg:$0x0];
	s2 =	stileid.u32  }
0x61: {  	s1 =	rddreg [dreg:$0x1];
	p0 =	sne.s32 s2, $0x0  }
0x62: {  	s3 =	rddreg [dreg:$0x2];
	[bflag:$0x3] =	sbarrier.arrive $0xFFFF;
	s2 =	simm.s32 @!p0 $0x1C01  }
0x63: {  	[timem:s3], [sflag:s2] =	dma.local @!p0 [hbm:s0], s1  }
0x64: {  	s0 =	simm.s32 @!p0 $0x1  }
0x65: {  	_ =	swait.ge @!p0 [sflag:s0], s1  }
0x66: {  	s1 =	ssub.s32 @!p0 $0x0, s1;
	[sflag:s0] =	ssyncset.done @!p0 $0x0  }
0x67: {  	[sflag:s0] =	ssyncadd.s32 @!p0 s1  }
0x68: {  	[bflag:$0x3] =	sbarrier.arrive $0xFFFF  }
0x69: {  	_ =	shalt  }

</sc_bundles>
